<compile_context>
chip_gen: v7x
topology: tpu7x:2x2x1
jax: 0.10.2.dev20260603
libtpu: 0.0.44.dev20260713+nightly
codegen_flags: <defaults>
</compile_context>

<pallas_src>
import jax
import jax.numpy as jnp
from jax.experimental import pallas as pl
from jax.experimental.pallas import tpu as pltpu

_BUCKETS = 256
_TEMP = 0.75
_ITERS = 7
_EPS = 1e-6
_SCALE = 1024.0 ** -0.5
_TILE_B = 8
_NEG = -1e30


def _lse(r, axis):
    m = jnp.max(r, axis=axis, keepdims=True)
    return m + jnp.log(jnp.sum(jnp.exp(r - m), axis=axis, keepdims=True))


def _routing_body(gum_ref, q_ref, k_ref, wq_ref, wk_ref,
                  idx_ref, val_ref):
    qs = jnp.sum(q_ref[0], axis=1)
    ks = jnp.sum(k_ref[0], axis=1)
    R = (jnp.dot(qs, wq_ref[0], preferred_element_type=jnp.float32)
         + jnp.dot(ks, wk_ref[0], preferred_element_type=jnp.float32))
    R = jnp.where(R >= 0, R, 0.01 * R)
    r = jnp.log(R + _EPS)
    r = (r + gum_ref[0]) / _TEMP
    for _ in range(_ITERS):
        r = r - _lse(r, axis=1)
        r = r - _lse(r, axis=0)
    Rn = jnp.exp(r)
    vals = jnp.max(Rn, axis=1, keepdims=True)
    is_max = Rn == vals
    col = jax.lax.broadcasted_iota(jnp.int32, (_BUCKETS, _BUCKETS), 1)
    first_idx = jnp.min(jnp.where(is_max, col, _BUCKETS),
                        axis=1, keepdims=True)
    idx_ref[0] = jnp.minimum(first_idx, _BUCKETS - 1)
    val_ref[0] = vals


def _attn_body(idx_sref, q_ref, k_ref, v_ref, val_ref, o_ref):
    i = pl.program_id(0)
    j = pl.program_id(1)
    bsz = k_ref.shape[2]
    d_h = k_ref.shape[3]
    n_rows = _TILE_B * bsz
    n_keys = _TILE_B * 2 * bsz

    kg_parts = []
    vg_parts = []
    for c in range(_TILE_B):
        bidx = idx_sref[i, j * _TILE_B + c]
        val_c = val_ref[0, pl.ds(j * _TILE_B + c, 1), :]
        kg_parts.append(k_ref[0, bidx] * val_c)
        vg_parts.append(v_ref[0, bidx] * val_c)
    kl = k_ref[0, pl.ds(j * _TILE_B, _TILE_B)]
    vl = v_ref[0, pl.ds(j * _TILE_B, _TILE_B)]
    kg = jnp.stack(kg_parts, axis=0)
    vg = jnp.stack(vg_parts, axis=0)
    k2 = jnp.concatenate([kg, kl], axis=1).astype(jnp.bfloat16)
    v2 = jnp.concatenate([vg, vl], axis=1).astype(jnp.bfloat16)

    qt = q_ref[0].reshape(_TILE_B, bsz, d_h).astype(jnp.bfloat16)
    dots = jax.lax.dot_general(
        qt, k2, (((2,), (2,)), ((0,), (0,))),
        preferred_element_type=jnp.float32) * _SCALE
    m = jnp.max(dots, axis=2, keepdims=True)
    p = jnp.exp(dots - m)
    p = p / jnp.sum(p, axis=2, keepdims=True)
    outt = jax.lax.dot_general(
        p.astype(jnp.bfloat16), v2, (((2,), (1,)), ((0,), (0,))),
        preferred_element_type=jnp.float32)
    o_ref[0] = outt.reshape(n_rows, d_h)


def kernel(q, k, v, sort_linear):
    b, h, t, d_h = q.shape
    bh = b * h
    bsz = t // _BUCKETS
    n_tiles = _BUCKETS // _TILE_B

    q4 = q.reshape(bh, _BUCKETS, bsz, d_h)
    k4 = k.reshape(bh, _BUCKETS, bsz, d_h)
    v4 = v.reshape(bh, _BUCKETS, bsz, d_h)
    qr = q.reshape(bh, t, d_h)
    W = jnp.broadcast_to(sort_linear, (b, h, 2 * d_h, _BUCKETS)).reshape(
        bh, 2 * d_h, _BUCKETS)
    Wq = W[:, :d_h, :]
    Wk = W[:, d_h:, :]
    u_noise = jax.random.uniform(
        jax.random.key(1234), (bh, _BUCKETS, _BUCKETS),
        minval=0.0, maxval=1.0)
    gum = -jnp.log(-jnp.log(u_noise + _EPS) + _EPS)

    idx3, vals3 = pl.pallas_call(
        _routing_body,
        grid=(bh,),
        in_specs=[
            pl.BlockSpec((1, _BUCKETS, _BUCKETS), lambda i: (i, 0, 0)),
            pl.BlockSpec((1, _BUCKETS, bsz, d_h), lambda i: (i, 0, 0, 0)),
            pl.BlockSpec((1, _BUCKETS, bsz, d_h), lambda i: (i, 0, 0, 0)),
            pl.BlockSpec((1, d_h, _BUCKETS), lambda i: (i, 0, 0)),
            pl.BlockSpec((1, d_h, _BUCKETS), lambda i: (i, 0, 0)),
        ],
        out_specs=[
            pl.BlockSpec((1, _BUCKETS, 1), lambda i: (i, 0, 0)),
            pl.BlockSpec((1, _BUCKETS, 1), lambda i: (i, 0, 0)),
        ],
        out_shape=[
            jax.ShapeDtypeStruct((bh, _BUCKETS, 1), jnp.int32),
            jax.ShapeDtypeStruct((bh, _BUCKETS, 1), jnp.float32),
        ],
        compiler_params=pltpu.CompilerParams(
            dimension_semantics=("parallel",),
        ),
    )(gum, q4, k4, Wq, Wk)

    idx = idx3.reshape(bh, _BUCKETS)
    vals3 = vals3.reshape(bh, _BUCKETS, 1)

    in_specs = [
        pl.BlockSpec((1, _TILE_B * bsz, d_h),
                     lambda i, j, idx_ref: (i, j, 0)),
        pl.BlockSpec((1, _BUCKETS, bsz, d_h),
                     lambda i, j, idx_ref: (i, 0, 0, 0)),
        pl.BlockSpec((1, _BUCKETS, bsz, d_h),
                     lambda i, j, idx_ref: (i, 0, 0, 0)),
        pl.BlockSpec((1, _BUCKETS, 1),
                     lambda i, j, idx_ref: (i, 0, 0)),
    ]

    out = pl.pallas_call(
        _attn_body,
        grid_spec=pltpu.PrefetchScalarGridSpec(
            num_scalar_prefetch=1,
            grid=(bh, n_tiles),
            in_specs=in_specs,
            out_specs=pl.BlockSpec((1, _TILE_B * bsz, d_h),
                                   lambda i, j, idx_ref: (i, j, 0)),
        ),
        out_shape=jax.ShapeDtypeStruct((bh, t, d_h), jnp.float32),
        compiler_params=pltpu.CompilerParams(
            dimension_semantics=("parallel", "arbitrary"),
        ),
    )(idx, qr, k4, v4, vals3)
    return out.reshape(b, h, t, d_h)

# --- scband reference (transcript-rebuilt; emitter-appended) ---
"""Pipeline reference for scband-sinkhorn-attention-71597104824508 (READ-ONLY COPY).

The authoritative reference and input builder live on the scoring server;
editing this copy changes nothing except your own understanding.
"""

import jax, jax.numpy as jnp
import numpy as np

BUCKETS = 256
HEADS = 16
DIM = 1024
TEMPERATURE = 0.75
SINKHORN_ITERS = 7
EPS = 1e-6


def _log(t):
    return jnp.log(t + EPS)


def setup_inputs(seed: int = 0) -> dict:
    key = jax.random.key(seed)
    k1, k2, k3, k4 = jax.random.split(key, 4)
    b, h, t, d_h = 2, 16, 8192, 64
    q = jax.random.normal(k1, (b, h, t, d_h), dtype=jnp.float32)
    k = jax.random.normal(k2, (b, h, t, d_h), dtype=jnp.float32)
    v = jax.random.normal(k3, (b, h, t, d_h), dtype=jnp.float32)
    # SortNet learned parameter: [1, heads, dim//heads*2, buckets]
    sort_linear = jax.random.normal(k4, (1, HEADS, 2 * d_h, BUCKETS), dtype=jnp.float32)
    return {"q": q, "k": k, "v": v, "sort_linear": sort_linear}


def reference(q, k, v, sort_linear):
    b, h, t, d_h = q.shape
    buckets = BUCKETS
    bsz = t // buckets
    bh = b * h

    qf = q.reshape(bh, t, d_h)
    kf = k.reshape(bh, t, d_h)
    vf = v.reshape(bh, t, d_h)

    b_q = qf.reshape(bh, buckets, bsz, d_h)
    b_k = kf.reshape(bh, buckets, bsz, d_h)
    b_v = vf.reshape(bh, buckets, bsz, d_h)

    # SortNet
    x = jnp.concatenate([b_q.sum(axis=2), b_k.sum(axis=2)], axis=-1)  # [bh, buckets, 2*d_h]
    W = jnp.broadcast_to(sort_linear, (b, h, 2 * d_h, buckets)).reshape(bh, 2 * d_h, buckets)
    R = jax.nn.leaky_relu(jnp.einsum('bud,bdv->buv', x, W), negative_slope=0.01)

    # gumbel_sinkhorn
    r = _log(R)
    u = jax.random.uniform(jax.random.key(1234), r.shape, minval=0.0, maxval=1.0)
    gumbel = -_log(-_log(u))
    r = (r + gumbel) / TEMPERATURE
    for _ in range(SINKHORN_ITERS):
        r = r - jax.scipy.special.logsumexp(r, axis=2, keepdims=True)
        r = r - jax.scipy.special.logsumexp(r, axis=1, keepdims=True)
    R = jnp.exp(r).astype(q.dtype)

    # zero_all_but_top (top-1 along dim=2)
    idx = jnp.argmax(R, axis=2)
    vals = jnp.max(R, axis=2)
    onehot = jnp.arange(buckets)[None, None, :] == idx[:, :, None]
    R_top = jnp.where(onehot, vals[:, :, None], jnp.zeros_like(R))

    # reorder buckets
    k_re = jnp.einsum('buv,bvtd->butd', R_top, b_k)
    v_re = jnp.einsum('buv,bvtd->butd', R_top, b_v)

    b_k2 = jnp.concatenate([k_re, b_k], axis=2)
    b_v2 = jnp.concatenate([v_re, b_v], axis=2)

    dots = jnp.einsum('buie,buje->buij', b_q, b_k2) * (DIM ** (-0.5))
    dots = jax.nn.softmax(dots, axis=-1)
    out = jnp.einsum('buij,buje->buie', dots, b_v2)
    out = out.reshape(bh, t, d_h).reshape(b, h, t, d_h)
    return out

if __name__ == "__main__":
    import jax
    _d = setup_inputs()
    print(jax.jit(kernel)(*tuple(_d.values())))

</pallas_src>

<mosaic_0001>
module attributes {stable_mosaic.version = 14 : i64} {
  func.func @_routing_body(%arg0: i32, %arg1: memref<1x256x256xf32, #tpu.memory_space<vmem>>, %arg2: memref<1x256x32x64xf32, #tpu.memory_space<vmem>>, %arg3: memref<1x256x32x64xf32, #tpu.memory_space<vmem>>, %arg4: memref<1x64x256xf32, #tpu.memory_space<vmem>>, %arg5: memref<1x64x256xf32, #tpu.memory_space<vmem>>, %arg6: memref<1x256x1xi32, #tpu.memory_space<vmem>>, %arg7: memref<1x256x1xf32, #tpu.memory_space<vmem>>) attributes {dimension_semantics = [#tpu.dimension_semantics<parallel>], iteration_bounds = array<i64: 32>, scalar_prefetch = 0 : i64, scratch_operands = 0 : i64, tpu.core_type = #tpu.core_type<tc>, window_params = [{transform_indices = @transform_0, window_bounds = array<i64: 1, 256, 256>}, {transform_indices = @transform_1, window_bounds = array<i64: 1, 256, 32, 64>}, {transform_indices = @transform_2, window_bounds = array<i64: 1, 256, 32, 64>}, {transform_indices = @transform_3, window_bounds = array<i64: 1, 64, 256>}, {transform_indices = @transform_4, window_bounds = array<i64: 1, 64, 256>}, {transform_indices = @transform_5, window_bounds = array<i64: 1, 256, 1>}, {transform_indices = @transform_6, window_bounds = array<i64: 1, 256, 1>}]} {
    %get3A = arith.constant 0 : index
    %get3A_0 = arith.constant 0 : index
    %get3A_1 = arith.constant 0 : index
    %get3A_2 = arith.constant 0 : index
    %get3A_3 = vector.load %arg2[%get3A, %get3A_0, %get3A_1, %get3A_2] : memref<1x256x32x64xf32, #tpu.memory_space<vmem>>, vector<1x256x32x64xf32>
    %get3A_4 = vector.shape_cast %get3A_3 : vector<1x256x32x64xf32> to vector<256x32x64xf32>
    %reduce_sum3A = arith.constant dense<0.000000e+00> : vector<256x64xf32>
    %reduce_sum3A_5 = vector.multi_reduction <add>, %get3A_4, %reduce_sum3A [1] : vector<256x32x64xf32> to vector<256x64xf32>
    %get3A_6 = arith.constant 0 : index
    %get3A_7 = arith.constant 0 : index
    %get3A_8 = arith.constant 0 : index
    %get3A_9 = arith.constant 0 : index
    %get3A_10 = vector.load %arg3[%get3A_6, %get3A_7, %get3A_8, %get3A_9] : memref<1x256x32x64xf32, #tpu.memory_space<vmem>>, vector<1x256x32x64xf32>
    %get3A_11 = vector.shape_cast %get3A_10 : vector<1x256x32x64xf32> to vector<256x32x64xf32>
    %reduce_sum3A_12 = arith.constant dense<0.000000e+00> : vector<256x64xf32>
    %reduce_sum3A_13 = vector.multi_reduction <add>, %get3A_11, %reduce_sum3A_12 [1] : vector<256x32x64xf32> to vector<256x64xf32>
    %get3A_14 = arith.constant 0 : index
    %get3A_15 = arith.constant 0 : index
    %get3A_16 = arith.constant 0 : index
    %get3A_17 = vector.load %arg4[%get3A_14, %get3A_15, %get3A_16] : memref<1x64x256xf32, #tpu.memory_space<vmem>>, vector<1x64x256xf32>
    %get3A_18 = vector.shape_cast %get3A_17 : vector<1x64x256xf32> to vector<64x256xf32>
    %dot_general3A = arith.constant dense<0.000000e+00> : vector<256x256xf32>
    %dot_general3A_19 = tpu.matmul %reduce_sum3A_5, %get3A_18, %dot_general3A {dimension_numbers = #tpu.dot_dimension_numbers<[1], [0], [0], [1], [0, 0, 1, 1], [], []>, transpose_lhs_hint = false} : vector<256x64xf32>, vector<64x256xf32>, vector<256x256xf32> -> vector<256x256xf32>
    %get3A_20 = arith.constant 0 : index
    %get3A_21 = arith.constant 0 : index
    %get3A_22 = arith.constant 0 : index
    %get3A_23 = vector.load %arg5[%get3A_20, %get3A_21, %get3A_22] : memref<1x64x256xf32, #tpu.memory_space<vmem>>, vector<1x64x256xf32>
    %get3A_24 = vector.shape_cast %get3A_23 : vector<1x64x256xf32> to vector<64x256xf32>
    %dot_general3A_25 = arith.constant dense<0.000000e+00> : vector<256x256xf32>
    %dot_general3A_26 = tpu.matmul %reduce_sum3A_13, %get3A_24, %dot_general3A_25 {dimension_numbers = #tpu.dot_dimension_numbers<[1], [0], [0], [1], [0, 0, 1, 1], [], []>, transpose_lhs_hint = false} : vector<256x64xf32>, vector<64x256xf32>, vector<256x256xf32> -> vector<256x256xf32>
    %add3A = arith.addf %dot_general3A_19, %dot_general3A_26 : vector<256x256xf32>
    %ge3A = arith.constant 0.000000e+00 : f32
    %ge3A_27 = vector.broadcast %ge3A : f32 to vector<256x256xf32>
    %ge3A_28 = arith.cmpf oge, %add3A, %ge3A_27 : vector<256x256xf32>
    %mul3A = arith.constant 0.00999999977 : f32
    %mul3A_29 = vector.broadcast %mul3A : f32 to vector<256x256xf32>
    %mul3A_30 = arith.mulf %mul3A_29, %add3A : vector<256x256xf32>
    %select_n3A = arith.select %ge3A_28, %add3A, %mul3A_30 : vector<256x256xi1>, vector<256x256xf32>
    %add3A_31 = arith.constant 9.99999997E-7 : f32
    %add3A_32 = vector.broadcast %add3A_31 : f32 to vector<256x256xf32>
    %add3A_33 = arith.addf %select_n3A, %add3A_32 : vector<256x256xf32>
    %log3A = math.log %add3A_33 : vector<256x256xf32>
    %get3A_34 = arith.constant 0 : index
    %get3A_35 = arith.constant 0 : index
    %get3A_36 = arith.constant 0 : index
    %get3A_37 = vector.load %arg1[%get3A_34, %get3A_35, %get3A_36] : memref<1x256x256xf32, #tpu.memory_space<vmem>>, vector<1x256x256xf32>
    %get3A_38 = vector.shape_cast %get3A_37 : vector<1x256x256xf32> to vector<256x256xf32>
    %add3A_39 = arith.addf %log3A, %get3A_38 : vector<256x256xf32>
    %div3A = arith.constant 7.500000e-01 : f32
    %div3A_40 = vector.broadcast %div3A : f32 to vector<256x256xf32>
    %div3A_41 = arith.divf %add3A_39, %div3A_40 : vector<256x256xf32>
    %reduce_max3A = arith.constant dense<0xFF800000> : vector<256xf32>
    %reduce_max3A_42 = vector.multi_reduction <maximumf>, %div3A_41, %reduce_max3A [1] : vector<256x256xf32> to vector<256xf32>
    %broadcast_in_dim3A = vector.shape_cast %reduce_max3A_42 : vector<256xf32> to vector<256x1xf32>
    %sub3A = vector.broadcast %broadcast_in_dim3A : vector<256x1xf32> to vector<256x256xf32>
    %sub3A_43 = arith.subf %div3A_41, %sub3A : vector<256x256xf32>
    %exp3A = math.exp %sub3A_43 : vector<256x256xf32>
    %reduce_sum3A_44 = arith.constant dense<0.000000e+00> : vector<256xf32>
    %reduce_sum3A_45 = vector.multi_reduction <add>, %exp3A, %reduce_sum3A_44 [1] : vector<256x256xf32> to vector<256xf32>
    %broadcast_in_dim3A_46 = vector.shape_cast %reduce_sum3A_45 : vector<256xf32> to vector<256x1xf32>
    %log3A_47 = math.log %broadcast_in_dim3A_46 : vector<256x1xf32>
    %add3A_48 = arith.addf %broadcast_in_dim3A, %log3A_47 : vector<256x1xf32>
    %sub3A_49 = vector.broadcast %add3A_48 : vector<256x1xf32> to vector<256x256xf32>
    %sub3A_50 = arith.subf %div3A_41, %sub3A_49 : vector<256x256xf32>
    %reduce_max3A_51 = arith.constant dense<0xFF800000> : vector<256xf32>
    %reduce_max3A_52 = vector.multi_reduction <maximumf>, %sub3A_50, %reduce_max3A_51 [0] : vector<256x256xf32> to vector<256xf32>
    %broadcast_in_dim3A_53 = vector.shape_cast %reduce_max3A_52 : vector<256xf32> to vector<1x256xf32>
    %sub3A_54 = vector.broadcast %broadcast_in_dim3A_53 : vector<1x256xf32> to vector<256x256xf32>
    %sub3A_55 = arith.subf %sub3A_50, %sub3A_54 : vector<256x256xf32>
    %exp3A_56 = math.exp %sub3A_55 : vector<256x256xf32>
    %reduce_sum3A_57 = arith.constant dense<0.000000e+00> : vector<256xf32>
    %reduce_sum3A_58 = vector.multi_reduction <add>, %exp3A_56, %reduce_sum3A_57 [0] : vector<256x256xf32> to vector<256xf32>
    %broadcast_in_dim3A_59 = vector.shape_cast %reduce_sum3A_58 : vector<256xf32> to vector<1x256xf32>
    %log3A_60 = math.log %broadcast_in_dim3A_59 : vector<1x256xf32>
    %add3A_61 = arith.addf %broadcast_in_dim3A_53, %log3A_60 : vector<1x256xf32>
    %sub3A_62 = vector.broadcast %add3A_61 : vector<1x256xf32> to vector<256x256xf32>
    %sub3A_63 = arith.subf %sub3A_50, %sub3A_62 : vector<256x256xf32>
    %reduce_max3A_64 = arith.constant dense<0xFF800000> : vector<256xf32>
    %reduce_max3A_65 = vector.multi_reduction <maximumf>, %sub3A_63, %reduce_max3A_64 [1] : vector<256x256xf32> to vector<256xf32>
    %broadcast_in_dim3A_66 = vector.shape_cast %reduce_max3A_65 : vector<256xf32> to vector<256x1xf32>
    %sub3A_67 = vector.broadcast %broadcast_in_dim3A_66 : vector<256x1xf32> to vector<256x256xf32>
    %sub3A_68 = arith.subf %sub3A_63, %sub3A_67 : vector<256x256xf32>
    %exp3A_69 = math.exp %sub3A_68 : vector<256x256xf32>
    %reduce_sum3A_70 = arith.constant dense<0.000000e+00> : vector<256xf32>
    %reduce_sum3A_71 = vector.multi_reduction <add>, %exp3A_69, %reduce_sum3A_70 [1] : vector<256x256xf32> to vector<256xf32>
    %broadcast_in_dim3A_72 = vector.shape_cast %reduce_sum3A_71 : vector<256xf32> to vector<256x1xf32>
    %log3A_73 = math.log %broadcast_in_dim3A_72 : vector<256x1xf32>
    %add3A_74 = arith.addf %broadcast_in_dim3A_66, %log3A_73 : vector<256x1xf32>
    %sub3A_75 = vector.broadcast %add3A_74 : vector<256x1xf32> to vector<256x256xf32>
    %sub3A_76 = arith.subf %sub3A_63, %sub3A_75 : vector<256x256xf32>
    %reduce_max3A_77 = arith.constant dense<0xFF800000> : vector<256xf32>
    %reduce_max3A_78 = vector.multi_reduction <maximumf>, %sub3A_76, %reduce_max3A_77 [0] : vector<256x256xf32> to vector<256xf32>
    %broadcast_in_dim3A_79 = vector.shape_cast %reduce_max3A_78 : vector<256xf32> to vector<1x256xf32>
    %sub3A_80 = vector.broadcast %broadcast_in_dim3A_79 : vector<1x256xf32> to vector<256x256xf32>
    %sub3A_81 = arith.subf %sub3A_76, %sub3A_80 : vector<256x256xf32>
    %exp3A_82 = math.exp %sub3A_81 : vector<256x256xf32>
    %reduce_sum3A_83 = arith.constant dense<0.000000e+00> : vector<256xf32>
    %reduce_sum3A_84 = vector.multi_reduction <add>, %exp3A_82, %reduce_sum3A_83 [0] : vector<256x256xf32> to vector<256xf32>
    %broadcast_in_dim3A_85 = vector.shape_cast %reduce_sum3A_84 : vector<256xf32> to vector<1x256xf32>
    %log3A_86 = math.log %broadcast_in_dim3A_85 : vector<1x256xf32>
    %add3A_87 = arith.addf %broadcast_in_dim3A_79, %log3A_86 : vector<1x256xf32>
    %sub3A_88 = vector.broadcast %add3A_87 : vector<1x256xf32> to vector<256x256xf32>
    %sub3A_89 = arith.subf %sub3A_76, %sub3A_88 : vector<256x256xf32>
    %reduce_max3A_90 = arith.constant dense<0xFF800000> : vector<256xf32>
    %reduce_max3A_91 = vector.multi_reduction <maximumf>, %sub3A_89, %reduce_max3A_90 [1] : vector<256x256xf32> to vector<256xf32>
    %broadcast_in_dim3A_92 = vector.shape_cast %reduce_max3A_91 : vector<256xf32> to vector<256x1xf32>
    %sub3A_93 = vector.broadcast %broadcast_in_dim3A_92 : vector<256x1xf32> to vector<256x256xf32>
    %sub3A_94 = arith.subf %sub3A_89, %sub3A_93 : vector<256x256xf32>
    %exp3A_95 = math.exp %sub3A_94 : vector<256x256xf32>
    %reduce_sum3A_96 = arith.constant dense<0.000000e+00> : vector<256xf32>
    %reduce_sum3A_97 = vector.multi_reduction <add>, %exp3A_95, %reduce_sum3A_96 [1] : vector<256x256xf32> to vector<256xf32>
    %broadcast_in_dim3A_98 = vector.shape_cast %reduce_sum3A_97 : vector<256xf32> to vector<256x1xf32>
    %log3A_99 = math.log %broadcast_in_dim3A_98 : vector<256x1xf32>
    %add3A_100 = arith.addf %broadcast_in_dim3A_92, %log3A_99 : vector<256x1xf32>
    %sub3A_101 = vector.broadcast %add3A_100 : vector<256x1xf32> to vector<256x256xf32>
    %sub3A_102 = arith.subf %sub3A_89, %sub3A_101 : vector<256x256xf32>
    %reduce_max3A_103 = arith.constant dense<0xFF800000> : vector<256xf32>
    %reduce_max3A_104 = vector.multi_reduction <maximumf>, %sub3A_102, %reduce_max3A_103 [0] : vector<256x256xf32> to vector<256xf32>
    %broadcast_in_dim3A_105 = vector.shape_cast %reduce_max3A_104 : vector<256xf32> to vector<1x256xf32>
    %sub3A_106 = vector.broadcast %broadcast_in_dim3A_105 : vector<1x256xf32> to vector<256x256xf32>
    %sub3A_107 = arith.subf %sub3A_102, %sub3A_106 : vector<256x256xf32>
    %exp3A_108 = math.exp %sub3A_107 : vector<256x256xf32>
    %reduce_sum3A_109 = arith.constant dense<0.000000e+00> : vector<256xf32>
    %reduce_sum3A_110 = vector.multi_reduction <add>, %exp3A_108, %reduce_sum3A_109 [0] : vector<256x256xf32> to vector<256xf32>
    %broadcast_in_dim3A_111 = vector.shape_cast %reduce_sum3A_110 : vector<256xf32> to vector<1x256xf32>
    %log3A_112 = math.log %broadcast_in_dim3A_111 : vector<1x256xf32>
    %add3A_113 = arith.addf %broadcast_in_dim3A_105, %log3A_112 : vector<1x256xf32>
    %sub3A_114 = vector.broadcast %add3A_113 : vector<1x256xf32> to vector<256x256xf32>
    %sub3A_115 = arith.subf %sub3A_102, %sub3A_114 : vector<256x256xf32>
    %reduce_max3A_116 = arith.constant dense<0xFF800000> : vector<256xf32>
    %reduce_max3A_117 = vector.multi_reduction <maximumf>, %sub3A_115, %reduce_max3A_116 [1] : vector<256x256xf32> to vector<256xf32>
    %broadcast_in_dim3A_118 = vector.shape_cast %reduce_max3A_117 : vector<256xf32> to vector<256x1xf32>
    %sub3A_119 = vector.broadcast %broadcast_in_dim3A_118 : vector<256x1xf32> to vector<256x256xf32>
    %sub3A_120 = arith.subf %sub3A_115, %sub3A_119 : vector<256x256xf32>
    %exp3A_121 = math.exp %sub3A_120 : vector<256x256xf32>
    %reduce_sum3A_122 = arith.constant dense<0.000000e+00> : vector<256xf32>
    %reduce_sum3A_123 = vector.multi_reduction <add>, %exp3A_121, %reduce_sum3A_122 [1] : vector<256x256xf32> to vector<256xf32>
    %broadcast_in_dim3A_124 = vector.shape_cast %reduce_sum3A_123 : vector<256xf32> to vector<256x1xf32>
    %log3A_125 = math.log %broadcast_in_dim3A_124 : vector<256x1xf32>
    %add3A_126 = arith.addf %broadcast_in_dim3A_118, %log3A_125 : vector<256x1xf32>
    %sub3A_127 = vector.broadcast %add3A_126 : vector<256x1xf32> to vector<256x256xf32>
    %sub3A_128 = arith.subf %sub3A_115, %sub3A_127 : vector<256x256xf32>
    %reduce_max3A_129 = arith.constant dense<0xFF800000> : vector<256xf32>
    %reduce_max3A_130 = vector.multi_reduction <maximumf>, %sub3A_128, %reduce_max3A_129 [0] : vector<256x256xf32> to vector<256xf32>
    %broadcast_in_dim3A_131 = vector.shape_cast %reduce_max3A_130 : vector<256xf32> to vector<1x256xf32>
    %sub3A_132 = vector.broadcast %broadcast_in_dim3A_131 : vector<1x256xf32> to vector<256x256xf32>
    %sub3A_133 = arith.subf %sub3A_128, %sub3A_132 : vector<256x256xf32>
    %exp3A_134 = math.exp %sub3A_133 : vector<256x256xf32>
    %reduce_sum3A_135 = arith.constant dense<0.000000e+00> : vector<256xf32>
    %reduce_sum3A_136 = vector.multi_reduction <add>, %exp3A_134, %reduce_sum3A_135 [0] : vector<256x256xf32> to vector<256xf32>
    %broadcast_in_dim3A_137 = vector.shape_cast %reduce_sum3A_136 : vector<256xf32> to vector<1x256xf32>
    %log3A_138 = math.log %broadcast_in_dim3A_137 : vector<1x256xf32>
    %add3A_139 = arith.addf %broadcast_in_dim3A_131, %log3A_138 : vector<1x256xf32>
    %sub3A_140 = vector.broadcast %add3A_139 : vector<1x256xf32> to vector<256x256xf32>
    %sub3A_141 = arith.subf %sub3A_128, %sub3A_140 : vector<256x256xf32>
    %reduce_max3A_142 = arith.constant dense<0xFF800000> : vector<256xf32>
    %reduce_max3A_143 = vector.multi_reduction <maximumf>, %sub3A_141, %reduce_max3A_142 [1] : vector<256x256xf32> to vector<256xf32>
    %broadcast_in_dim3A_144 = vector.shape_cast %reduce_max3A_143 : vector<256xf32> to vector<256x1xf32>
    %sub3A_145 = vector.broadcast %broadcast_in_dim3A_144 : vector<256x1xf32> to vector<256x256xf32>
    %sub3A_146 = arith.subf %sub3A_141, %sub3A_145 : vector<256x256xf32>
    %exp3A_147 = math.exp %sub3A_146 : vector<256x256xf32>
    %reduce_sum3A_148 = arith.constant dense<0.000000e+00> : vector<256xf32>
    %reduce_sum3A_149 = vector.multi_reduction <add>, %exp3A_147, %reduce_sum3A_148 [1] : vector<256x256xf32> to vector<256xf32>
    %broadcast_in_dim3A_150 = vector.shape_cast %reduce_sum3A_149 : vector<256xf32> to vector<256x1xf32>
    %log3A_151 = math.log %broadcast_in_dim3A_150 : vector<256x1xf32>
    %add3A_152 = arith.addf %broadcast_in_dim3A_144, %log3A_151 : vector<256x1xf32>
    %sub3A_153 = vector.broadcast %add3A_152 : vector<256x1xf32> to vector<256x256xf32>
    %sub3A_154 = arith.subf %sub3A_141, %sub3A_153 : vector<256x256xf32>
    %reduce_max3A_155 = arith.constant dense<0xFF800000> : vector<256xf32>
    %reduce_max3A_156 = vector.multi_reduction <maximumf>, %sub3A_154, %reduce_max3A_155 [0] : vector<256x256xf32> to vector<256xf32>
    %broadcast_in_dim3A_157 = vector.shape_cast %reduce_max3A_156 : vector<256xf32> to vector<1x256xf32>
    %sub3A_158 = vector.broadcast %broadcast_in_dim3A_157 : vector<1x256xf32> to vector<256x256xf32>
    %sub3A_159 = arith.subf %sub3A_154, %sub3A_158 : vector<256x256xf32>
    %exp3A_160 = math.exp %sub3A_159 : vector<256x256xf32>
    %reduce_sum3A_161 = arith.constant dense<0.000000e+00> : vector<256xf32>
    %reduce_sum3A_162 = vector.multi_reduction <add>, %exp3A_160, %reduce_sum3A_161 [0] : vector<256x256xf32> to vector<256xf32>
    %broadcast_in_dim3A_163 = vector.shape_cast %reduce_sum3A_162 : vector<256xf32> to vector<1x256xf32>
    %log3A_164 = math.log %broadcast_in_dim3A_163 : vector<1x256xf32>
    %add3A_165 = arith.addf %broadcast_in_dim3A_157, %log3A_164 : vector<1x256xf32>
    %sub3A_166 = vector.broadcast %add3A_165 : vector<1x256xf32> to vector<256x256xf32>
    %sub3A_167 = arith.subf %sub3A_154, %sub3A_166 : vector<256x256xf32>
    %reduce_max3A_168 = arith.constant dense<0xFF800000> : vector<256xf32>
    %reduce_max3A_169 = vector.multi_reduction <maximumf>, %sub3A_167, %reduce_max3A_168 [1] : vector<256x256xf32> to vector<256xf32>
    %broadcast_in_dim3A_170 = vector.shape_cast %reduce_max3A_169 : vector<256xf32> to vector<256x1xf32>
    %sub3A_171 = vector.broadcast %broadcast_in_dim3A_170 : vector<256x1xf32> to vector<256x256xf32>
    %sub3A_172 = arith.subf %sub3A_167, %sub3A_171 : vector<256x256xf32>
    %exp3A_173 = math.exp %sub3A_172 : vector<256x256xf32>
    %reduce_sum3A_174 = arith.constant dense<0.000000e+00> : vector<256xf32>
    %reduce_sum3A_175 = vector.multi_reduction <add>, %exp3A_173, %reduce_sum3A_174 [1] : vector<256x256xf32> to vector<256xf32>
    %broadcast_in_dim3A_176 = vector.shape_cast %reduce_sum3A_175 : vector<256xf32> to vector<256x1xf32>
    %log3A_177 = math.log %broadcast_in_dim3A_176 : vector<256x1xf32>
    %add3A_178 = arith.addf %broadcast_in_dim3A_170, %log3A_177 : vector<256x1xf32>
    %sub3A_179 = vector.broadcast %add3A_178 : vector<256x1xf32> to vector<256x256xf32>
    %sub3A_180 = arith.subf %sub3A_167, %sub3A_179 : vector<256x256xf32>
    %reduce_max3A_181 = arith.constant dense<0xFF800000> : vector<256xf32>
    %reduce_max3A_182 = vector.multi_reduction <maximumf>, %sub3A_180, %reduce_max3A_181 [0] : vector<256x256xf32> to vector<256xf32>
    %broadcast_in_dim3A_183 = vector.shape_cast %reduce_max3A_182 : vector<256xf32> to vector<1x256xf32>
    %sub3A_184 = vector.broadcast %broadcast_in_dim3A_183 : vector<1x256xf32> to vector<256x256xf32>
    %sub3A_185 = arith.subf %sub3A_180, %sub3A_184 : vector<256x256xf32>
    %exp3A_186 = math.exp %sub3A_185 : vector<256x256xf32>
    %reduce_sum3A_187 = arith.constant dense<0.000000e+00> : vector<256xf32>
    %reduce_sum3A_188 = vector.multi_reduction <add>, %exp3A_186, %reduce_sum3A_187 [0] : vector<256x256xf32> to vector<256xf32>
    %broadcast_in_dim3A_189 = vector.shape_cast %reduce_sum3A_188 : vector<256xf32> to vector<1x256xf32>
    %log3A_190 = math.log %broadcast_in_dim3A_189 : vector<1x256xf32>
    %add3A_191 = arith.addf %broadcast_in_dim3A_183, %log3A_190 : vector<1x256xf32>
    %sub3A_192 = vector.broadcast %add3A_191 : vector<1x256xf32> to vector<256x256xf32>
    %sub3A_193 = arith.subf %sub3A_180, %sub3A_192 : vector<256x256xf32>
    %reduce_max3A_194 = arith.constant dense<0xFF800000> : vector<256xf32>
    %reduce_max3A_195 = vector.multi_reduction <maximumf>, %sub3A_193, %reduce_max3A_194 [1] : vector<256x256xf32> to vector<256xf32>
    %broadcast_in_dim3A_196 = vector.shape_cast %reduce_max3A_195 : vector<256xf32> to vector<256x1xf32>
    %sub3A_197 = vector.broadcast %broadcast_in_dim3A_196 : vector<256x1xf32> to vector<256x256xf32>
    %sub3A_198 = arith.subf %sub3A_193, %sub3A_197 : vector<256x256xf32>
    %exp3A_199 = math.exp %sub3A_198 : vector<256x256xf32>
    %reduce_sum3A_200 = arith.constant dense<0.000000e+00> : vector<256xf32>
    %reduce_sum3A_201 = vector.multi_reduction <add>, %exp3A_199, %reduce_sum3A_200 [1] : vector<256x256xf32> to vector<256xf32>
    %broadcast_in_dim3A_202 = vector.shape_cast %reduce_sum3A_201 : vector<256xf32> to vector<256x1xf32>
    %log3A_203 = math.log %broadcast_in_dim3A_202 : vector<256x1xf32>
    %add3A_204 = arith.addf %broadcast_in_dim3A_196, %log3A_203 : vector<256x1xf32>
    %sub3A_205 = vector.broadcast %add3A_204 : vector<256x1xf32> to vector<256x256xf32>
    %sub3A_206 = arith.subf %sub3A_193, %sub3A_205 : vector<256x256xf32>
    %reduce_max3A_207 = arith.constant dense<0xFF800000> : vector<256xf32>
    %reduce_max3A_208 = vector.multi_reduction <maximumf>, %sub3A_206, %reduce_max3A_207 [0] : vector<256x256xf32> to vector<256xf32>
    %broadcast_in_dim3A_209 = vector.shape_cast %reduce_max3A_208 : vector<256xf32> to vector<1x256xf32>
    %sub3A_210 = vector.broadcast %broadcast_in_dim3A_209 : vector<1x256xf32> to vector<256x256xf32>
    %sub3A_211 = arith.subf %sub3A_206, %sub3A_210 : vector<256x256xf32>
    %exp3A_212 = math.exp %sub3A_211 : vector<256x256xf32>
    %reduce_sum3A_213 = arith.constant dense<0.000000e+00> : vector<256xf32>
    %reduce_sum3A_214 = vector.multi_reduction <add>, %exp3A_212, %reduce_sum3A_213 [0] : vector<256x256xf32> to vector<256xf32>
    %broadcast_in_dim3A_215 = vector.shape_cast %reduce_sum3A_214 : vector<256xf32> to vector<1x256xf32>
    %log3A_216 = math.log %broadcast_in_dim3A_215 : vector<1x256xf32>
    %add3A_217 = arith.addf %broadcast_in_dim3A_209, %log3A_216 : vector<1x256xf32>
    %sub3A_218 = vector.broadcast %add3A_217 : vector<1x256xf32> to vector<256x256xf32>
    %sub3A_219 = arith.subf %sub3A_206, %sub3A_218 : vector<256x256xf32>
    %exp3A_220 = math.exp %sub3A_219 : vector<256x256xf32>
    %reduce_max3A_221 = arith.constant dense<0xFF800000> : vector<256xf32>
    %reduce_max3A_222 = vector.multi_reduction <maximumf>, %exp3A_220, %reduce_max3A_221 [1] : vector<256x256xf32> to vector<256xf32>
    %broadcast_in_dim3A_223 = vector.shape_cast %reduce_max3A_222 : vector<256xf32> to vector<256x1xf32>
    %eq3A = vector.broadcast %broadcast_in_dim3A_223 : vector<256x1xf32> to vector<256x256xf32>
    %eq3A_224 = arith.cmpf oeq, %exp3A_220, %eq3A : vector<256x256xf32>
    %iota3A = tpu.iota {dimensions = array<i32: 1>} : vector<256x256xi32>
    %jit3A = arith.constant 256 : i32
    %broadcast_in_dim3A_225 = vector.broadcast %jit3A : i32 to vector<256x256xi32>
    %select_n3A_226 = arith.select %eq3A_224, %iota3A, %broadcast_in_dim3A_225 : vector<256x256xi1>, vector<256x256xi32>
    %reduce_min3A = arith.constant dense<2147483647> : vector<256xi32>
    %reduce_min3A_227 = vector.multi_reduction <minsi>, %select_n3A_226, %reduce_min3A [1] : vector<256x256xi32> to vector<256xi32>
    %broadcast_in_dim3A_228 = vector.shape_cast %reduce_min3A_227 : vector<256xi32> to vector<256x1xi32>
    %min3A = arith.constant 255 : i32
    %min3A_229 = vector.broadcast %min3A : i32 to vector<256x1xi32>
    %min3A_230 = arith.minsi %broadcast_in_dim3A_228, %min3A_229 : vector<256x1xi32>
    %swap3A = arith.constant 0 : index
    %swap3A_231 = arith.constant 0 : index
    %swap3A_232 = arith.constant 0 : index
    %swap3A_233 = vector.load %arg6[%swap3A, %swap3A_231, %swap3A_232] : memref<1x256x1xi32, #tpu.memory_space<vmem>>, vector<1x256x1xi32>
    %swap3A_234 = vector.shape_cast %swap3A_233 : vector<1x256x1xi32> to vector<256x1xi32>
    %swap3A_235 = vector.shape_cast %min3A_230 : vector<256x1xi32> to vector<1x256x1xi32>
    tpu.vector_store %arg6[%swap3A, %swap3A_231, %swap3A_232], %swap3A_235 {strides = array<i32>} : memref<1x256x1xi32, #tpu.memory_space<vmem>>, vector<1x256x1xi32>,
    %swap3A_236 = arith.constant 0 : index
    %swap3A_237 = arith.constant 0 : index
    %swap3A_238 = arith.constant 0 : index
    %swap3A_239 = vector.load %arg7[%swap3A_236, %swap3A_237, %swap3A_238] : memref<1x256x1xf32, #tpu.memory_space<vmem>>, vector<1x256x1xf32>
    %swap3A_240 = vector.shape_cast %swap3A_239 : vector<1x256x1xf32> to vector<256x1xf32>
    %swap3A_241 = vector.shape_cast %broadcast_in_dim3A_223 : vector<256x1xf32> to vector<1x256x1xf32>
    tpu.vector_store %arg7[%swap3A_236, %swap3A_237, %swap3A_238], %swap3A_241 {strides = array<i32>} : memref<1x256x1xf32, #tpu.memory_space<vmem>>, vector<1x256x1xf32>,
    return
  }
  func.func @transform_0(%arg0: i32) -> (i32, i32, i32) {
    %c0_i32 = arith.constant 0 : i32
    %c0_i32_0 = arith.constant 0 : i32
    %c0_i32_1 = arith.constant 0 : i32
    return %arg0, %c0_i32, %c0_i32_0 : i32, i32, i32
  }
  func.func @transform_1(%arg0: i32) -> (i32, i32, i32, i32) {
    %c0_i32 = arith.constant 0 : i32
    %c0_i32_0 = arith.constant 0 : i32
    %c0_i32_1 = arith.constant 0 : i32
    %c0_i32_2 = arith.constant 0 : i32
    return %arg0, %c0_i32, %c0_i32_0, %c0_i32_1 : i32, i32, i32, i32
  }
  func.func @transform_2(%arg0: i32) -> (i32, i32, i32, i32) {
    %c0_i32 = arith.constant 0 : i32
    %c0_i32_0 = arith.constant 0 : i32
    %c0_i32_1 = arith.constant 0 : i32
    %c0_i32_2 = arith.constant 0 : i32
    return %arg0, %c0_i32, %c0_i32_0, %c0_i32_1 : i32, i32, i32, i32
  }
  func.func @transform_3(%arg0: i32) -> (i32, i32, i32) {
    %c0_i32 = arith.constant 0 : i32
    %c0_i32_0 = arith.constant 0 : i32
    %c0_i32_1 = arith.constant 0 : i32
    return %arg0, %c0_i32, %c0_i32_0 : i32, i32, i32
  }
  func.func @transform_4(%arg0: i32) -> (i32, i32, i32) {
    %c0_i32 = arith.constant 0 : i32
    %c0_i32_0 = arith.constant 0 : i32
    %c0_i32_1 = arith.constant 0 : i32
    return %arg0, %c0_i32, %c0_i32_0 : i32, i32, i32
  }
  func.func @transform_5(%arg0: i32) -> (i32, i32, i32) {
    %c0_i32 = arith.constant 0 : i32
    %c0_i32_0 = arith.constant 0 : i32
    %c0_i32_1 = arith.constant 0 : i32
    return %arg0, %c0_i32, %c0_i32_0 : i32, i32, i32
  }
  func.func @transform_6(%arg0: i32) -> (i32, i32, i32) {
    %c0_i32 = arith.constant 0 : i32
    %c0_i32_0 = arith.constant 0 : i32
    %c0_i32_1 = arith.constant 0 : i32
    return %arg0, %c0_i32, %c0_i32_0 : i32, i32, i32
  }
}

module attributes {stable_mosaic.version = 14 : i64} {
  func.func @_attn_body(%arg0: i32, %arg1: i32, %arg2: memref<32x256xi32, #tpu.memory_space<smem>>, %arg3: memref<1x256x64xf32, #tpu.memory_space<vmem>>, %arg4: memref<1x256x32x64xf32, #tpu.memory_space<vmem>>, %arg5: memref<1x256x32x64xf32, #tpu.memory_space<vmem>>, %arg6: memref<1x256x1xf32, #tpu.memory_space<vmem>>, %arg7: memref<1x256x64xf32, #tpu.memory_space<vmem>>) attributes {dimension_semantics = [#tpu.dimension_semantics<parallel>, #tpu.dimension_semantics<arbitrary>], iteration_bounds = array<i64: 32, 32>, scalar_prefetch = 1 : i64, scratch_operands = 0 : i64, tpu.core_type = #tpu.core_type<tc>, window_params = [{transform_indices = @transform_0, window_bounds = array<i64: 1, 256, 64>}, {transform_indices = @transform_1, window_bounds = array<i64: 1, 256, 32, 64>}, {transform_indices = @transform_2, window_bounds = array<i64: 1, 256, 32, 64>}, {transform_indices = @transform_3, window_bounds = array<i64: 1, 256, 1>}, {transform_indices = @transform_4, window_bounds = array<i64: 1, 256, 64>}]} {
    %mul3A = arith.constant 8 : i32
    %mul3A_0 = arith.muli %arg1, %mul3A : i32
    %add3A = arith.constant 0 : i32
    %add3A_1 = arith.addi %mul3A_0, %add3A : i32
    %get3A = arith.index_cast %arg0 : i32 to index
    %get3A_2 = arith.index_cast %add3A_1 : i32 to index
    %get3A_3 = memref.load %arg2[%get3A, %get3A_2] : memref<32x256xi32, #tpu.memory_space<smem>>
    %mul3A_4 = arith.constant 8 : i32
    %mul3A_5 = arith.muli %arg1, %mul3A_4 : i32
    %add3A_6 = arith.constant 0 : i32
    %add3A_7 = arith.addi %mul3A_5, %add3A_6 : i32
    %get3A_8 = arith.constant 0 : index
    %get3A_9 = arith.index_cast %add3A_7 : i32 to index
    %get3A_10 = arith.constant 0 : index
    %get3A_11 = vector.load %arg6[%get3A_8, %get3A_9, %get3A_10] : memref<1x256x1xf32, #tpu.memory_space<vmem>>, vector<1x1x1xf32>
    %get3A_12 = vector.shape_cast %get3A_11 : vector<1x1x1xf32> to vector<1x1xf32>
    %get3A_13 = arith.constant 0 : index
    %get3A_14 = arith.index_cast %get3A_3 : i32 to index
    %get3A_15 = arith.constant 0 : index
    %get3A_16 = arith.constant 0 : index
    %get3A_17 = vector.load %arg4[%get3A_13, %get3A_14, %get3A_15, %get3A_16] : memref<1x256x32x64xf32, #tpu.memory_space<vmem>>, vector<1x1x32x64xf32>
    %get3A_18 = vector.shape_cast %get3A_17 : vector<1x1x32x64xf32> to vector<32x64xf32>
    %mul3A_19 = vector.broadcast %get3A_12 : vector<1x1xf32> to vector<32x64xf32>
    %mul3A_20 = arith.mulf %get3A_18, %mul3A_19 : vector<32x64xf32>
    %get3A_21 = arith.constant 0 : index
    %get3A_22 = arith.index_cast %get3A_3 : i32 to index
    %get3A_23 = arith.constant 0 : index
    %get3A_24 = arith.constant 0 : index
    %get3A_25 = vector.load %arg5[%get3A_21, %get3A_22, %get3A_23, %get3A_24] : memref<1x256x32x64xf32, #tpu.memory_space<vmem>>, vector<1x1x32x64xf32>
    %get3A_26 = vector.shape_cast %get3A_25 : vector<1x1x32x64xf32> to vector<32x64xf32>
    %mul3A_27 = vector.broadcast %get3A_12 : vector<1x1xf32> to vector<32x64xf32>
    %mul3A_28 = arith.mulf %get3A_26, %mul3A_27 : vector<32x64xf32>
    %mul3A_29 = arith.constant 8 : i32
    %mul3A_30 = arith.muli %arg1, %mul3A_29 : i32
    %add3A_31 = arith.constant 1 : i32
    %add3A_32 = arith.addi %mul3A_30, %add3A_31 : i32
    %get3A_33 = arith.index_cast %arg0 : i32 to index
    %get3A_34 = arith.index_cast %add3A_32 : i32 to index
    %get3A_35 = memref.load %arg2[%get3A_33, %get3A_34] : memref<32x256xi32, #tpu.memory_space<smem>>
    %mul3A_36 = arith.constant 8 : i32
    %mul3A_37 = arith.muli %arg1, %mul3A_36 : i32
    %add3A_38 = arith.constant 1 : i32
    %add3A_39 = arith.addi %mul3A_37, %add3A_38 : i32
    %get3A_40 = arith.constant 0 : index
    %get3A_41 = arith.index_cast %add3A_39 : i32 to index
    %get3A_42 = arith.constant 0 : index
    %get3A_43 = vector.load %arg6[%get3A_40, %get3A_41, %get3A_42] : memref<1x256x1xf32, #tpu.memory_space<vmem>>, vector<1x1x1xf32>
    %get3A_44 = vector.shape_cast %get3A_43 : vector<1x1x1xf32> to vector<1x1xf32>
    %get3A_45 = arith.constant 0 : index
    %get3A_46 = arith.index_cast %get3A_35 : i32 to index
    %get3A_47 = arith.constant 0 : index
    %get3A_48 = arith.constant 0 : index
    %get3A_49 = vector.load %arg4[%get3A_45, %get3A_46, %get3A_47, %get3A_48] : memref<1x256x32x64xf32, #tpu.memory_space<vmem>>, vector<1x1x32x64xf32>
    %get3A_50 = vector.shape_cast %get3A_49 : vector<1x1x32x64xf32> to vector<32x64xf32>
    %mul3A_51 = vector.broadcast %get3A_44 : vector<1x1xf32> to vector<32x64xf32>
    %mul3A_52 = arith.mulf %get3A_50, %mul3A_51 : vector<32x64xf32>
    %get3A_53 = arith.constant 0 : index
    %get3A_54 = arith.index_cast %get3A_35 : i32 to index
    %get3A_55 = arith.constant 0 : index
    %get3A_56 = arith.constant 0 : index
    %get3A_57 = vector.load %arg5[%get3A_53, %get3A_54, %get3A_55, %get3A_56] : memref<1x256x32x64xf32, #tpu.memory_space<vmem>>, vector<1x1x32x64xf32>
    %get3A_58 = vector.shape_cast %get3A_57 : vector<1x1x32x64xf32> to vector<32x64xf32>
    %mul3A_59 = vector.broadcast %get3A_44 : vector<1x1xf32> to vector<32x64xf32>
    %mul3A_60 = arith.mulf %get3A_58, %mul3A_59 : vector<32x64xf32>
    %mul3A_61 = arith.constant 8 : i32
    %mul3A_62 = arith.muli %arg1, %mul3A_61 : i32
    %add3A_63 = arith.constant 2 : i32
    %add3A_64 = arith.addi %mul3A_62, %add3A_63 : i32
    %get3A_65 = arith.index_cast %arg0 : i32 to index
    %get3A_66 = arith.index_cast %add3A_64 : i32 to index
    %get3A_67 = memref.load %arg2[%get3A_65, %get3A_66] : memref<32x256xi32, #tpu.memory_space<smem>>
    %mul3A_68 = arith.constant 8 : i32
    %mul3A_69 = arith.muli %arg1, %mul3A_68 : i32
    %add3A_70 = arith.constant 2 : i32
    %add3A_71 = arith.addi %mul3A_69, %add3A_70 : i32
    %get3A_72 = arith.constant 0 : index
    %get3A_73 = arith.index_cast %add3A_71 : i32 to index
    %get3A_74 = arith.constant 0 : index
    %get3A_75 = vector.load %arg6[%get3A_72, %get3A_73, %get3A_74] : memref<1x256x1xf32, #tpu.memory_space<vmem>>, vector<1x1x1xf32>
    %get3A_76 = vector.shape_cast %get3A_75 : vector<1x1x1xf32> to vector<1x1xf32>
    %get3A_77 = arith.constant 0 : index
    %get3A_78 = arith.index_cast %get3A_67 : i32 to index
    %get3A_79 = arith.constant 0 : index
    %get3A_80 = arith.constant 0 : index
    %get3A_81 = vector.load %arg4[%get3A_77, %get3A_78, %get3A_79, %get3A_80] : memref<1x256x32x64xf32, #tpu.memory_space<vmem>>, vector<1x1x32x64xf32>
    %get3A_82 = vector.shape_cast %get3A_81 : vector<1x1x32x64xf32> to vector<32x64xf32>
    %mul3A_83 = vector.broadcast %get3A_76 : vector<1x1xf32> to vector<32x64xf32>
    %mul3A_84 = arith.mulf %get3A_82, %mul3A_83 : vector<32x64xf32>
    %get3A_85 = arith.constant 0 : index
    %get3A_86 = arith.index_cast %get3A_67 : i32 to index
    %get3A_87 = arith.constant 0 : index
    %get3A_88 = arith.constant 0 : index
    %get3A_89 = vector.load %arg5[%get3A_85, %get3A_86, %get3A_87, %get3A_88] : memref<1x256x32x64xf32, #tpu.memory_space<vmem>>, vector<1x1x32x64xf32>
    %get3A_90 = vector.shape_cast %get3A_89 : vector<1x1x32x64xf32> to vector<32x64xf32>
    %mul3A_91 = vector.broadcast %get3A_76 : vector<1x1xf32> to vector<32x64xf32>
    %mul3A_92 = arith.mulf %get3A_90, %mul3A_91 : vector<32x64xf32>
    %mul3A_93 = arith.constant 8 : i32
    %mul3A_94 = arith.muli %arg1, %mul3A_93 : i32
    %add3A_95 = arith.constant 3 : i32
    %add3A_96 = arith.addi %mul3A_94, %add3A_95 : i32
    %get3A_97 = arith.index_cast %arg0 : i32 to index
    %get3A_98 = arith.index_cast %add3A_96 : i32 to index
    %get3A_99 = memref.load %arg2[%get3A_97, %get3A_98] : memref<32x256xi32, #tpu.memory_space<smem>>
    %mul3A_100 = arith.constant 8 : i32
    %mul3A_101 = arith.muli %arg1, %mul3A_100 : i32
    %add3A_102 = arith.constant 3 : i32
    %add3A_103 = arith.addi %mul3A_101, %add3A_102 : i32
    %get3A_104 = arith.constant 0 : index
    %get3A_105 = arith.index_cast %add3A_103 : i32 to index
    %get3A_106 = arith.constant 0 : index
    %get3A_107 = vector.load %arg6[%get3A_104, %get3A_105, %get3A_106] : memref<1x256x1xf32, #tpu.memory_space<vmem>>, vector<1x1x1xf32>
    %get3A_108 = vector.shape_cast %get3A_107 : vector<1x1x1xf32> to vector<1x1xf32>
    %get3A_109 = arith.constant 0 : index
    %get3A_110 = arith.index_cast %get3A_99 : i32 to index
    %get3A_111 = arith.constant 0 : index
    %get3A_112 = arith.constant 0 : index
    %get3A_113 = vector.load %arg4[%get3A_109, %get3A_110, %get3A_111, %get3A_112] : memref<1x256x32x64xf32, #tpu.memory_space<vmem>>, vector<1x1x32x64xf32>
    %get3A_114 = vector.shape_cast %get3A_113 : vector<1x1x32x64xf32> to vector<32x64xf32>
    %mul3A_115 = vector.broadcast %get3A_108 : vector<1x1xf32> to vector<32x64xf32>
    %mul3A_116 = arith.mulf %get3A_114, %mul3A_115 : vector<32x64xf32>
    %get3A_117 = arith.constant 0 : index
    %get3A_118 = arith.index_cast %get3A_99 : i32 to index
    %get3A_119 = arith.constant 0 : index
    %get3A_120 = arith.constant 0 : index
    %get3A_121 = vector.load %arg5[%get3A_117, %get3A_118, %get3A_119, %get3A_120] : memref<1x256x32x64xf32, #tpu.memory_space<vmem>>, vector<1x1x32x64xf32>
    %get3A_122 = vector.shape_cast %get3A_121 : vector<1x1x32x64xf32> to vector<32x64xf32>
    %mul3A_123 = vector.broadcast %get3A_108 : vector<1x1xf32> to vector<32x64xf32>
    %mul3A_124 = arith.mulf %get3A_122, %mul3A_123 : vector<32x64xf32>
    %mul3A_125 = arith.constant 8 : i32
    %mul3A_126 = arith.muli %arg1, %mul3A_125 : i32
    %add3A_127 = arith.constant 4 : i32
    %add3A_128 = arith.addi %mul3A_126, %add3A_127 : i32
    %get3A_129 = arith.index_cast %arg0 : i32 to index
    %get3A_130 = arith.index_cast %add3A_128 : i32 to index
    %get3A_131 = memref.load %arg2[%get3A_129, %get3A_130] : memref<32x256xi32, #tpu.memory_space<smem>>
    %mul3A_132 = arith.constant 8 : i32
    %mul3A_133 = arith.muli %arg1, %mul3A_132 : i32
    %add3A_134 = arith.constant 4 : i32
    %add3A_135 = arith.addi %mul3A_133, %add3A_134 : i32
    %get3A_136 = arith.constant 0 : index
    %get3A_137 = arith.index_cast %add3A_135 : i32 to index
    %get3A_138 = arith.constant 0 : index
    %get3A_139 = vector.load %arg6[%get3A_136, %get3A_137, %get3A_138] : memref<1x256x1xf32, #tpu.memory_space<vmem>>, vector<1x1x1xf32>
    %get3A_140 = vector.shape_cast %get3A_139 : vector<1x1x1xf32> to vector<1x1xf32>
    %get3A_141 = arith.constant 0 : index
    %get3A_142 = arith.index_cast %get3A_131 : i32 to index
    %get3A_143 = arith.constant 0 : index
    %get3A_144 = arith.constant 0 : index
    %get3A_145 = vector.load %arg4[%get3A_141, %get3A_142, %get3A_143, %get3A_144] : memref<1x256x32x64xf32, #tpu.memory_space<vmem>>, vector<1x1x32x64xf32>
    %get3A_146 = vector.shape_cast %get3A_145 : vector<1x1x32x64xf32> to vector<32x64xf32>
    %mul3A_147 = vector.broadcast %get3A_140 : vector<1x1xf32> to vector<32x64xf32>
    %mul3A_148 = arith.mulf %get3A_146, %mul3A_147 : vector<32x64xf32>
    %get3A_149 = arith.constant 0 : index
    %get3A_150 = arith.index_cast %get3A_131 : i32 to index
    %get3A_151 = arith.constant 0 : index
    %get3A_152 = arith.constant 0 : index
    %get3A_153 = vector.load %arg5[%get3A_149, %get3A_150, %get3A_151, %get3A_152] : memref<1x256x32x64xf32, #tpu.memory_space<vmem>>, vector<1x1x32x64xf32>
    %get3A_154 = vector.shape_cast %get3A_153 : vector<1x1x32x64xf32> to vector<32x64xf32>
    %mul3A_155 = vector.broadcast %get3A_140 : vector<1x1xf32> to vector<32x64xf32>
    %mul3A_156 = arith.mulf %get3A_154, %mul3A_155 : vector<32x64xf32>
    %mul3A_157 = arith.constant 8 : i32
    %mul3A_158 = arith.muli %arg1, %mul3A_157 : i32
    %add3A_159 = arith.constant 5 : i32
    %add3A_160 = arith.addi %mul3A_158, %add3A_159 : i32
    %get3A_161 = arith.index_cast %arg0 : i32 to index
    %get3A_162 = arith.index_cast %add3A_160 : i32 to index
    %get3A_163 = memref.load %arg2[%get3A_161, %get3A_162] : memref<32x256xi32, #tpu.memory_space<smem>>
    %mul3A_164 = arith.constant 8 : i32
    %mul3A_165 = arith.muli %arg1, %mul3A_164 : i32
    %add3A_166 = arith.constant 5 : i32
    %add3A_167 = arith.addi %mul3A_165, %add3A_166 : i32
    %get3A_168 = arith.constant 0 : index
    %get3A_169 = arith.index_cast %add3A_167 : i32 to index
    %get3A_170 = arith.constant 0 : index
    %get3A_171 = vector.load %arg6[%get3A_168, %get3A_169, %get3A_170] : memref<1x256x1xf32, #tpu.memory_space<vmem>>, vector<1x1x1xf32>
    %get3A_172 = vector.shape_cast %get3A_171 : vector<1x1x1xf32> to vector<1x1xf32>
    %get3A_173 = arith.constant 0 : index
    %get3A_174 = arith.index_cast %get3A_163 : i32 to index
    %get3A_175 = arith.constant 0 : index
    %get3A_176 = arith.constant 0 : index
    %get3A_177 = vector.load %arg4[%get3A_173, %get3A_174, %get3A_175, %get3A_176] : memref<1x256x32x64xf32, #tpu.memory_space<vmem>>, vector<1x1x32x64xf32>
    %get3A_178 = vector.shape_cast %get3A_177 : vector<1x1x32x64xf32> to vector<32x64xf32>
    %mul3A_179 = vector.broadcast %get3A_172 : vector<1x1xf32> to vector<32x64xf32>
    %mul3A_180 = arith.mulf %get3A_178, %mul3A_179 : vector<32x64xf32>
    %get3A_181 = arith.constant 0 : index
    %get3A_182 = arith.index_cast %get3A_163 : i32 to index
    %get3A_183 = arith.constant 0 : index
    %get3A_184 = arith.constant 0 : index
    %get3A_185 = vector.load %arg5[%get3A_181, %get3A_182, %get3A_183, %get3A_184] : memref<1x256x32x64xf32, #tpu.memory_space<vmem>>, vector<1x1x32x64xf32>
    %get3A_186 = vector.shape_cast %get3A_185 : vector<1x1x32x64xf32> to vector<32x64xf32>
    %mul3A_187 = vector.broadcast %get3A_172 : vector<1x1xf32> to vector<32x64xf32>
    %mul3A_188 = arith.mulf %get3A_186, %mul3A_187 : vector<32x64xf32>
    %mul3A_189 = arith.constant 8 : i32
    %mul3A_190 = arith.muli %arg1, %mul3A_189 : i32
    %add3A_191 = arith.constant 6 : i32
    %add3A_192 = arith.addi %mul3A_190, %add3A_191 : i32
    %get3A_193 = arith.index_cast %arg0 : i32 to index
    %get3A_194 = arith.index_cast %add3A_192 : i32 to index
    %get3A_195 = memref.load %arg2[%get3A_193, %get3A_194] : memref<32x256xi32, #tpu.memory_space<smem>>
    %mul3A_196 = arith.constant 8 : i32
    %mul3A_197 = arith.muli %arg1, %mul3A_196 : i32
    %add3A_198 = arith.constant 6 : i32
    %add3A_199 = arith.addi %mul3A_197, %add3A_198 : i32
    %get3A_200 = arith.constant 0 : index
    %get3A_201 = arith.index_cast %add3A_199 : i32 to index
    %get3A_202 = arith.constant 0 : index
    %get3A_203 = vector.load %arg6[%get3A_200, %get3A_201, %get3A_202] : memref<1x256x1xf32, #tpu.memory_space<vmem>>, vector<1x1x1xf32>
    %get3A_204 = vector.shape_cast %get3A_203 : vector<1x1x1xf32> to vector<1x1xf32>
    %get3A_205 = arith.constant 0 : index
    %get3A_206 = arith.index_cast %get3A_195 : i32 to index
    %get3A_207 = arith.constant 0 : index
    %get3A_208 = arith.constant 0 : index
    %get3A_209 = vector.load %arg4[%get3A_205, %get3A_206, %get3A_207, %get3A_208] : memref<1x256x32x64xf32, #tpu.memory_space<vmem>>, vector<1x1x32x64xf32>
    %get3A_210 = vector.shape_cast %get3A_209 : vector<1x1x32x64xf32> to vector<32x64xf32>
    %mul3A_211 = vector.broadcast %get3A_204 : vector<1x1xf32> to vector<32x64xf32>
    %mul3A_212 = arith.mulf %get3A_210, %mul3A_211 : vector<32x64xf32>
    %get3A_213 = arith.constant 0 : index
    %get3A_214 = arith.index_cast %get3A_195 : i32 to index
    %get3A_215 = arith.constant 0 : index
    %get3A_216 = arith.constant 0 : index
    %get3A_217 = vector.load %arg5[%get3A_213, %get3A_214, %get3A_215, %get3A_216] : memref<1x256x32x64xf32, #tpu.memory_space<vmem>>, vector<1x1x32x64xf32>
    %get3A_218 = vector.shape_cast %get3A_217 : vector<1x1x32x64xf32> to vector<32x64xf32>
    %mul3A_219 = vector.broadcast %get3A_204 : vector<1x1xf32> to vector<32x64xf32>
    %mul3A_220 = arith.mulf %get3A_218, %mul3A_219 : vector<32x64xf32>
    %mul3A_221 = arith.constant 8 : i32
    %mul3A_222 = arith.muli %arg1, %mul3A_221 : i32
    %add3A_223 = arith.constant 7 : i32
    %add3A_224 = arith.addi %mul3A_222, %add3A_223 : i32
    %get3A_225 = arith.index_cast %arg0 : i32 to index
    %get3A_226 = arith.index_cast %add3A_224 : i32 to index
    %get3A_227 = memref.load %arg2[%get3A_225, %get3A_226] : memref<32x256xi32, #tpu.memory_space<smem>>
    %mul3A_228 = arith.constant 8 : i32
    %mul3A_229 = arith.muli %arg1, %mul3A_228 : i32
    %add3A_230 = arith.constant 7 : i32
    %add3A_231 = arith.addi %mul3A_229, %add3A_230 : i32
    %get3A_232 = arith.constant 0 : index
    %get3A_233 = arith.index_cast %add3A_231 : i32 to index
    %get3A_234 = arith.constant 0 : index
    %get3A_235 = vector.load %arg6[%get3A_232, %get3A_233, %get3A_234] : memref<1x256x1xf32, #tpu.memory_space<vmem>>, vector<1x1x1xf32>
    %get3A_236 = vector.shape_cast %get3A_235 : vector<1x1x1xf32> to vector<1x1xf32>
    %get3A_237 = arith.constant 0 : index
    %get3A_238 = arith.index_cast %get3A_227 : i32 to index
    %get3A_239 = arith.constant 0 : index
    %get3A_240 = arith.constant 0 : index
    %get3A_241 = vector.load %arg4[%get3A_237, %get3A_238, %get3A_239, %get3A_240] : memref<1x256x32x64xf32, #tpu.memory_space<vmem>>, vector<1x1x32x64xf32>
    %get3A_242 = vector.shape_cast %get3A_241 : vector<1x1x32x64xf32> to vector<32x64xf32>
    %mul3A_243 = vector.broadcast %get3A_236 : vector<1x1xf32> to vector<32x64xf32>
    %mul3A_244 = arith.mulf %get3A_242, %mul3A_243 : vector<32x64xf32>
    %get3A_245 = arith.constant 0 : index
    %get3A_246 = arith.index_cast %get3A_227 : i32 to index
    %get3A_247 = arith.constant 0 : index
    %get3A_248 = arith.constant 0 : index
    %get3A_249 = vector.load %arg5[%get3A_245, %get3A_246, %get3A_247, %get3A_248] : memref<1x256x32x64xf32, #tpu.memory_space<vmem>>, vector<1x1x32x64xf32>
    %get3A_250 = vector.shape_cast %get3A_249 : vector<1x1x32x64xf32> to vector<32x64xf32>
    %mul3A_251 = vector.broadcast %get3A_236 : vector<1x1xf32> to vector<32x64xf32>
    %mul3A_252 = arith.mulf %get3A_250, %mul3A_251 : vector<32x64xf32>
    %mul3A_253 = arith.constant 8 : i32
    %mul3A_254 = arith.muli %arg1, %mul3A_253 : i32
    %get3A_255 = arith.constant 0 : index
    %get3A_256 = arith.index_cast %mul3A_254 : i32 to index
    %get3A_257 = arith.constant 0 : index
    %get3A_258 = arith.constant 0 : index
    %get3A_259 = vector.load %arg4[%get3A_255, %get3A_256, %get3A_257, %get3A_258] : memref<1x256x32x64xf32, #tpu.memory_space<vmem>>, vector<1x8x32x64xf32>
    %get3A_260 = vector.shape_cast %get3A_259 : vector<1x8x32x64xf32> to vector<8x32x64xf32>
    %mul3A_261 = arith.constant 8 : i32
    %mul3A_262 = arith.muli %arg1, %mul3A_261 : i32
    %get3A_263 = arith.constant 0 : index
    %get3A_264 = arith.index_cast %mul3A_262 : i32 to index
    %get3A_265 = arith.constant 0 : index
    %get3A_266 = arith.constant 0 : index
    %get3A_267 = vector.load %arg5[%get3A_263, %get3A_264, %get3A_265, %get3A_266] : memref<1x256x32x64xf32, #tpu.memory_space<vmem>>, vector<1x8x32x64xf32>
    %get3A_268 = vector.shape_cast %get3A_267 : vector<1x8x32x64xf32> to vector<8x32x64xf32>
    %stack3A = vector.shape_cast %mul3A_20 : vector<32x64xf32> to vector<1x32x64xf32>
    %stack3A_269 = vector.shape_cast %mul3A_52 : vector<32x64xf32> to vector<1x32x64xf32>
    %stack3A_270 = vector.shape_cast %mul3A_84 : vector<32x64xf32> to vector<1x32x64xf32>
    %stack3A_271 = vector.shape_cast %mul3A_116 : vector<32x64xf32> to vector<1x32x64xf32>
    %stack3A_272 = vector.shape_cast %mul3A_148 : vector<32x64xf32> to vector<1x32x64xf32>
    %stack3A_273 = vector.shape_cast %mul3A_180 : vector<32x64xf32> to vector<1x32x64xf32>
    %stack3A_274 = vector.shape_cast %mul3A_212 : vector<32x64xf32> to vector<1x32x64xf32>
    %stack3A_275 = vector.shape_cast %mul3A_244 : vector<32x64xf32> to vector<1x32x64xf32>
    %stack3A_276 = tpu.concatenate %stack3A, %stack3A_269, %stack3A_270, %stack3A_271, %stack3A_272, %stack3A_273, %stack3A_274, %stack3A_275 in 0 : vector<1x32x64xf32>, vector<1x32x64xf32>, vector<1x32x64xf32>, vector<1x32x64xf32>, vector<1x32x64xf32>, vector<1x32x64xf32>, vector<1x32x64xf32>, vector<1x32x64xf32> -> vector<8x32x64xf32>
    %stack3A_277 = vector.shape_cast %mul3A_28 : vector<32x64xf32> to vector<1x32x64xf32>
    %stack3A_278 = vector.shape_cast %mul3A_60 : vector<32x64xf32> to vector<1x32x64xf32>
    %stack3A_279 = vector.shape_cast %mul3A_92 : vector<32x64xf32> to vector<1x32x64xf32>
    %stack3A_280 = vector.shape_cast %mul3A_124 : vector<32x64xf32> to vector<1x32x64xf32>
    %stack3A_281 = vector.shape_cast %mul3A_156 : vector<32x64xf32> to vector<1x32x64xf32>
    %stack3A_282 = vector.shape_cast %mul3A_188 : vector<32x64xf32> to vector<1x32x64xf32>
    %stack3A_283 = vector.shape_cast %mul3A_220 : vector<32x64xf32> to vector<1x32x64xf32>
    %stack3A_284 = vector.shape_cast %mul3A_252 : vector<32x64xf32> to vector<1x32x64xf32>
    %stack3A_285 = tpu.concatenate %stack3A_277, %stack3A_278, %stack3A_279, %stack3A_280, %stack3A_281, %stack3A_282, %stack3A_283, %stack3A_284 in 0 : vector<1x32x64xf32>, vector<1x32x64xf32>, vector<1x32x64xf32>, vector<1x32x64xf32>, vector<1x32x64xf32>, vector<1x32x64xf32>, vector<1x32x64xf32>, vector<1x32x64xf32> -> vector<8x32x64xf32>
    %concatenate3A = tpu.concatenate %stack3A_276, %get3A_260 in 1 : vector<8x32x64xf32>, vector<8x32x64xf32> -> vector<8x64x64xf32>
    %convert_element_type3A = arith.truncf %concatenate3A : vector<8x64x64xf32> to vector<8x64x64xbf16>
    %concatenate3A_286 = tpu.concatenate %stack3A_285, %get3A_268 in 1 : vector<8x32x64xf32>, vector<8x32x64xf32> -> vector<8x64x64xf32>
    %convert_element_type3A_287 = arith.truncf %concatenate3A_286 : vector<8x64x64xf32> to vector<8x64x64xbf16>
    %get3A_288 = arith.constant 0 : index
    %get3A_289 = arith.constant 0 : index
    %get3A_290 = arith.constant 0 : index
    %get3A_291 = vector.load %arg3[%get3A_288, %get3A_289, %get3A_290] : memref<1x256x64xf32, #tpu.memory_space<vmem>>, vector<1x256x64xf32>
    %get3A_292 = vector.shape_cast %get3A_291 : vector<1x256x64xf32> to vector<256x64xf32>
    %reshape3A = vector.shape_cast %get3A_292 : vector<256x64xf32> to vector<8x32x64xf32>
    %convert_element_type3A_293 = arith.truncf %reshape3A : vector<8x32x64xf32> to vector<8x32x64xbf16>
    %dot_general3A = arith.constant dense<0.000000e+00> : vector<8x32x64xf32>
    %dot_general3A_294 = tpu.matmul %convert_element_type3A_293, %convert_element_type3A, %dot_general3A {dimension_numbers = #tpu.dot_dimension_numbers<[2], [2], [1], [1], [0, 0, 0, 1, 1, 1], [0], [0]>, transpose_lhs_hint = false} : vector<8x32x64xbf16>, vector<8x64x64xbf16>, vector<8x32x64xf32> -> vector<8x32x64xf32>
    %mul3A_295 = arith.constant 3.125000e-02 : f32
    %mul3A_296 = vector.broadcast %mul3A_295 : f32 to vector<8x32x64xf32>
    %mul3A_297 = arith.mulf %dot_general3A_294, %mul3A_296 : vector<8x32x64xf32>
    %reduce_max3A = arith.constant dense<0xFF800000> : vector<8x32xf32>
    %reduce_max3A_298 = vector.multi_reduction <maximumf>, %mul3A_297, %reduce_max3A [2] : vector<8x32x64xf32> to vector<8x32xf32>
    %broadcast_in_dim3A = vector.shape_cast %reduce_max3A_298 : vector<8x32xf32> to vector<8x32x1xf32>
    %sub3A = vector.broadcast %broadcast_in_dim3A : vector<8x32x1xf32> to vector<8x32x64xf32>
    %sub3A_299 = arith.subf %mul3A_297, %sub3A : vector<8x32x64xf32>
    %exp3A = math.exp %sub3A_299 : vector<8x32x64xf32>
    %reduce_sum3A = arith.constant dense<0.000000e+00> : vector<8x32xf32>
    %reduce_sum3A_300 = vector.multi_reduction <add>, %exp3A, %reduce_sum3A [2] : vector<8x32x64xf32> to vector<8x32xf32>
    %broadcast_in_dim3A_301 = vector.shape_cast %reduce_sum3A_300 : vector<8x32xf32> to vector<8x32x1xf32>
    %div3A = vector.broadcast %broadcast_in_dim3A_301 : vector<8x32x1xf32> to vector<8x32x64xf32>
    %div3A_302 = arith.divf %exp3A, %div3A : vector<8x32x64xf32>
    %convert_element_type3A_303 = arith.truncf %div3A_302 : vector<8x32x64xf32> to vector<8x32x64xbf16>
    %dot_general3A_304 = arith.constant dense<0.000000e+00> : vector<8x32x64xf32>
    %dot_general3A_305 = tpu.matmul %convert_element_type3A_303, %convert_element_type3A_287, %dot_general3A_304 {dimension_numbers = #tpu.dot_dimension_numbers<[2], [1], [1], [2], [0, 0, 0, 1, 1, 2], [0], [0]>, transpose_lhs_hint = false} : vector<8x32x64xbf16>, vector<8x64x64xbf16>, vector<8x32x64xf32> -> vector<8x32x64xf32>
    %reshape3A_306 = vector.shape_cast %dot_general3A_305 : vector<8x32x64xf32> to vector<256x64xf32>
    %swap3A = arith.constant 0 : index
    %swap3A_307 = arith.constant 0 : index
    %swap3A_308 = arith.constant 0 : index
    %swap3A_309 = vector.load %arg7[%swap3A, %swap3A_307, %swap3A_308] : memref<1x256x64xf32, #tpu.memory_space<vmem>>, vector<1x256x64xf32>
    %swap3A_310 = vector.shape_cast %swap3A_309 : vector<1x256x64xf32> to vector<256x64xf32>
    %swap3A_311 = vector.shape_cast %reshape3A_306 : vector<256x64xf32> to vector<1x256x64xf32>
    tpu.vector_store %arg7[%swap3A, %swap3A_307, %swap3A_308], %swap3A_311 {strides = array<i32>} : memref<1x256x64xf32, #tpu.memory_space<vmem>>, vector<1x256x64xf32>,
    return
  }
  func.func @transform_0(%arg0: i32, %arg1: i32, %arg2: memref<32x256xi32, #tpu.memory_space<smem>>) -> (i32, i32, i32) {
    %c0_i32 = arith.constant 0 : i32
    %c0_i32_0 = arith.constant 0 : i32
    return %arg0, %arg1, %c0_i32 : i32, i32, i32
  }
  func.func @transform_1(%arg0: i32, %arg1: i32, %arg2: memref<32x256xi32, #tpu.memory_space<smem>>) -> (i32, i32, i32, i32) {
    %c0_i32 = arith.constant 0 : i32
    %c0_i32_0 = arith.constant 0 : i32
    %c0_i32_1 = arith.constant 0 : i32
    %c0_i32_2 = arith.constant 0 : i32
    return %arg0, %c0_i32, %c0_i32_0, %c0_i32_1 : i32, i32, i32, i32
  }
  func.func @transform_2(%arg0: i32, %arg1: i32, %arg2: memref<32x256xi32, #tpu.memory_space<smem>>) -> (i32, i32, i32, i32) {
    %c0_i32 = arith.constant 0 : i32
    %c0_i32_0 = arith.constant 0 : i32
    %c0_i32_1 = arith.constant 0 : i32
    %c0_i32_2 = arith.constant 0 : i32
    return %arg0, %c0_i32, %c0_i32_0, %c0_i32_1 : i32, i32, i32, i32
  }
  func.func @transform_3(%arg0: i32, %arg1: i32, %arg2: memref<32x256xi32, #tpu.memory_space<smem>>) -> (i32, i32, i32) {
    %c0_i32 = arith.constant 0 : i32
    %c0_i32_0 = arith.constant 0 : i32
    %c0_i32_1 = arith.constant 0 : i32
    return %arg0, %c0_i32, %c0_i32_0 : i32, i32, i32
  }
  func.func @transform_4(%arg0: i32, %arg1: i32, %arg2: memref<32x256xi32, #tpu.memory_space<smem>>) -> (i32, i32, i32) {
    %c0_i32 = arith.constant 0 : i32
    %c0_i32_0 = arith.constant 0 : i32
    return %arg0, %arg1, %c0_i32 : i32, i32, i32
  }
}

</mosaic_0001>

<sc_bundles>
// kernel: sparse-core-data-format-call.cloned.1.call-start
scs
called_computation_lowered:
.L_overlay_start_0:
0x0: {  	s2 =	sld [smem:$0x3FD9]  }
0x1: {  	s3 =	sld [smem:$0x3FFE];
	_ =	sdelay $0x1  }
0x2: {  	s1 =	srdreg.scid  }
0x3: {  	s0 =	sand.u32 $0x1, s1  }
0x4: {  	s18 =	sshll.u32 s0, $0xA;
	s2 =	sadd.s32 s3, s2  }
0x5: {  	s2 =	sadd.s32 s2, s18  }
0x6: {  	[smem:$0x3FC4] =	sst s2  }
0x7: {  	_ = 	snop  }
0x8: {  	s2 =	sld [smem:$0x3FD0];
	(tm) =	ssettm $0x1  }
0x9: {  	s19 =	sld [smem:$0x3FFB];
	_ =	sdelay $0x3  }
0xa: {  	_ =	strace s19  }
0xb: {  	s3 =	sld [smem:$0x3FFC];
	_ =	sdelay $0x3  }
0xc: {  	_ =	strace s3  }
0xd: {  	s3 =	sld [smem:$0x3FFD];
	_ =	sdelay $0x3  }
0xe: {  	_ =	strace s3  }
0xf: {  	_ =	strace $0x8FFFFFFF  }
0x10: {  	s20 =	sld [smem:$0x3FDB];
	_ =	sdelay $0x1  }
0x11: {  	s4 =	simm.s32 $_scs_section_size  }
0x12: {  	s5 =	simm.s32 $_size__tile_overlayer_lowered;
	s6 =	simm.s32 $_tile_overlayer_lowered  }
0x13: {  	s23 =	simm.s32 $0x1BFF;
	s22 =	sshll.u32 s6, $0x1;
	s3 =	sadd.s32 s4, s20  }
0x14: {  	s7 =	simm.s32 $0x0;
	s21 =	sshll.u32 s5, $0x1;
	s5 =	sadd.s32 s22, s3  }
0x15: {  	[timem:s7], [sflag:s23] =	dma.local [hbm:s5], s21  }
0x16: {  	_ =	swait.ge [sflag:s23], s21  }
0x17: {  	s4 =	ssub.s32 $0x0, s21;
	[sflag:s23] =	ssyncset.done $0x0  }
0x18: {  	[sflag:s23] =	ssyncadd.s32 s4;
	_ =	sdelay $0x1  }
0x19: {  	s24 =	simm.s32 $0x1B8B  }
0x1a: {  	_ =	swait.ge [sflag:s24], $0x1  }
0x1b: {  	[sflag:s24] =	ssyncset.done $0x0  }
0x1c: {  	s26 =	simm.s32 $0x1B8E;
	s25 =	sld [smem:$0x3FFE];
	[sflag:s24] =	ssyncadd.s32 $0xFFFFFFFF  }
0x1d: {  	s27 =	simm.s32 $execute0_lowered;
	[smem:$0x3FD2] =	sst s26  }
0x1e: {  	s5 =	sshll.u32 s27, $0x1;
	_ =	strace $0x80000046;
	[dreg:$0x1] =	wrdreg $0xFFFFFFFF  }
0x1f: {  	s28 =	simm.s32 $_size_execute0_lowered;
	s3 =	sadd.s32 s3, s5;
	[dreg:$0x0] =	wrdreg $0x0  }
0x20: {  	s5 =	sshll.u32 s28, $0x1;
	[dreg:$0x2] =	wrdreg s3  }
0x21: {  	[dreg:$0x3] =	wrdreg s5  }
0x22: {  	[dreg:$0x4] =	wrdreg $0xC0  }
0x23: {  	_ =	task [dreg:s7], $0x5FFFF  }
0x24: {  	[dreg:$0x1] =	wrdreg $0xFFFFFFFF  }
0x25: {  	[dreg:$0x0] =	wrdreg $0x60  }
0x26: {  	[dreg:$0x2] =	wrdreg s25  }
0x27: {  	[dreg:$0x3] =	wrdreg s2  }
0x28: {  	[dreg:$0x4] =	wrdreg $0x9  }
0x29: {  	_ =	task.clear_ibuf [dreg:s7], $0x5FFFF;
	_ =	strace $0x90000046  }
0x2a: {  	s29 =	simm.s32 $0x9;
	_ =	strace $0x80000048  }
0x2b: {  	_ =	swait.ge [sflag:s29], $0x1  }
0x2c: {  	[sflag:s29] =	ssyncadd.s32 $0xFFFFFFFF  }
0x2d: {  	_ =	strace $0x90000048  }
0x2e: {  	_ =	sfence  }
0x2f: {  	s30 =	sld [smem:$0x0];
	_ =	sdelay $0x2  }
0x30: {  	s31 =	sshll.u32 s1, $0xD;
	s1 =	sshrl.u32 s1, $0x2  }
0x31: {  	s3 =	sand.u32 $0x4000, s31;
	s1 =	sadd.s32 s1, s30  }
0x32: {  	s0 =	sor.u32 s3, s0;
	s1 =	sshll.u32 s1, $0x11  }
0x33: {  	s0 =	sor.u32 s1, s0  }
0x34: {  	s0 =	sadd.s32 $0x8F2B, s0  }
0x35: {  	[sflag:s0] =	ssyncadd.remote.s32 $0x1  }
0x36: {  	_ =	sfence.sel $0xFFFF  }
0x37: {  	[dreg:$0x0] =	wrdreg $0xFFFFFFFF;
	(pc) =	sbr.abs _section_cstart, $3  }
0x38: {  	[dreg:$0x1] =	wrdreg $0xFFFFFFFF  }
0x39: {  	_ =	task.clear_ibuf [dreg:s7], $0x2FFFF;
	_ =	strace $0x9FFFFFFF  }
0x3a: {  	(tm) =	ssettm $0x7FFFFFFF  }
0x3b: {  	_ =	shalt  }
tec
execute0_lowered:
.L_overlay_start_1:
0x0: {  	(tag) =	ssettag $0x1  }
0x1: {  	s9 =	rddreg [dreg:$0x0]  }
0x2: {  	s1 =	rddreg [dreg:$0x1];
	s0 =	stileid.u32  }
0x3: {  	s4 =	srdreg.scid;
	s31 =	simm.s32 $0x2;
	s16 =	simm.s32 $0x0  }
0x4: {  	s11 =	simm.s32 $0x10000;
	s17 =	simm.s32 $0x0;
	s18 =	simm.s32 $0x0  }
0x5: {  	s15 =	simm.s32 $0x0;
	s2 =	sand.u32 $0x1, s0;
	s3 =	sand.u32 $0xE, s0  }
0x6: {  	s4 =	sshll.u32 s4, $0x7;
	s5 =	ssub.s32 $0x2, s2;
	s6 =	ssub.s32 $0x10, s3  }
0x7: {  	s4 =	sand.u32 $0x80, s4;
	s13 =	smov.u32 s3;
	s8 =	sand.u32 $0xE, s6  }
0x8: {  	s7 =	sshrl.u32 s5, $0x1;
	p0 =	sne.s32 s8, $0x0;
	s8 =	simm.s32 $0x1  }
0x9: {  	s5 =	sand.u32 $0x1, s5;
	s6 =	sshrl.u32 s6, $0x4;
	s8 =	simm.s32 @!p0 $0x0  }
0xa: {  	s10 =	ssub.s32 $0x2000, s4;
	s5 =	sadd.s32 s5, s7;
	s6 =	sadd.s32 s8, s6  }
0xb: {  	s14 =	smov.u32 s2;
	s28 =	sshrl.u32 s10, $0x7;
	s30 =	smul.u32 s5, s6  }
.Ltmp0:
0xc: {  	s29 =	sshrl.u32 s10, $0x8;
	s7 =	sand.u32 $0x1, s28;
	(pc) =	sbr.rel .LBB1_1-.Ltmp0, $4  }
0xd: {  	s12 =	smov.u32 s4;
	s7 =	sadd.s32 s29, s7;
	s5 =	rddreg [dreg:$0x2]  }
0xe: {  	_ =	strace $0x80000047;
	s6 =	simm.s32 $0x1;
	s7 =	smul.u32 s7, s30  }
0xf: {  	p0 =	por $0x0, $0x0;
	s8 =	sadd.s32 $0xC11C00, s9;
	[sflag:s6] =	ssyncpa.u1 $0x0  }
0x10: {  	s9 =	sadd.s32 $0xC31C00, s9;
	[sflag:s31] =	ssyncpa.u1 $0x0;
	s10 =	sadd.s32 $0x1, s7  }
.LBB1_7:
0x11: {  	s19 =	sadd.s32 $0x100, s12  }
0x12: {  	s16 =	sadd.s32 $0x10, s13;
	s20 =	smov.u32 s13;
	p2 =	sgt.s32 s19, $0x1FFF  }
0x13: {  	s20 =	smov.u32 @p2 s16  }
0x14: {  	s22 =	smov.u32 s14;
	s16 =	sadd.s32 $0x2, s14;
	p3 =	sgt.s32 s20, $0xF  }
0x15: {  	s22 =	smov.u32 @p3 s16  }
0x16: {  	s19 =	smov.u32 @p2 s4;
	p2 =	sgt.s32 s22, $0x1  }
0x17: {  	p1 =	slt.u32 s15, $0x2;
	s22 =	smov.u32 @p2 s2;
	p2 =	sne.s32 s15, s10  }
.Ltmp1:
0x18: {  	s21 =	simm.s32 @!p1 $0x2;
	(pc) =	sbr.rel @!p2 .LBB1_8-.Ltmp1, $4  }
0x19: {  	s17 =	smov.u32 s13;
	s18 =	smov.u32 s14;
	_ =	swait.ge @!p1 [sflag:s21], $0x4000  }
0x1a: {  	p0 =	por !p0, !p0;
	[sflag:s21] =	ssyncset.done @!p1 $0x0;
	s20 =	smov.u32 @p3 s3  }
0x1b: {  	s16 =	smov.u32 s12;
	[sflag:s21] =	ssyncadd.s32 @!p1 $0xFFFFC000;
	s12 =	smov.u32 s19  }
0x1c: {  	s13 =	smov.u32 s20;
	s15 =	sadd.s32 $0x1, s15;
	s14 =	smov.u32 s22  }
.LBB1_1:
0x1d: {  	p1 =	sge.u32 s15, s7  }
0x1e: {  	s19 =	sxor.u32 @!p1 $0xFFFFFFFF, s15;
	s20 =	sshll.u32 @!p1 s14, $0x15  }
0x1f: {  	s21 =	sshll.u32 @!p1 s13, $0x11;
	s23 =	sshll.u32 @!p1 s12, $0x4;
	s24 =	simm.s32 @!p1 $0x40  }
0x20: {  	s25 =	simm.s32 @!p1 $0x80;
	s19 =	sshll.u32 @!p1 s19, $0xE;
	s22 =	sadd.s32 @!p1 s20, s21  }
0x21: {  	s23 =	sand.u32 @!p1 $0x1FFF0, s23;
	s20 =	sadd.s32 @!p1 s20, s9;
	s22 =	sadd.s32 @!p1 s8, s22  }
0x22: {  	s19 =	sand.u32 @!p1 $0x4000, s19;
	s20 =	sadd.s32 @!p1 s21, s20;
	s22 =	sadd.s32 @!p1 s23, s22  }
0x23: {  	[tilespmem:s19], [sflag:$0x1] =	stream.strided.gather @!p1 [hbm4b:s22+s24], $0x2000, s25, s24, $0x38;
	[tilespmem:$0x10100] =	vst v63  }
0x24: {  	s31 =	sadd.s32 $0xFFFFFFFF, s15;
	s20 =	sadd.s32 @!p1 s23, s20;
	s19 =	sor.u32 @!p1 $0x2000, s19  }
0x25: {  	[tilespmem:s19], [sflag:$0x1] =	stream.strided.gather @!p1 [hbm4b:s20+s24], $0x2000, s25, s24, $0x38;
	[tilespmem:$0x10100] =	vst v63  }
0x26: {  	p1 =	sge.u32 s31, s7  }
.Ltmp2:
0x27: {  	_ = 	snop;
	(pc) =	sbr.rel @p1 .LBB1_7-.Ltmp2, $1  }
0x28: {  	_ =	sdelay $0x3  }
0x29: {  	s19 =	simm.s32 $0x1;
	s21 =	sand.u32 $0x1, s15  }
0x2a: {  	_ =	swait.ge [sflag:s6], $0x4000;
	s19 =	simm.s32 @!p0 $0x0;
	s21 =	smul.u32 $0x10200, s21  }
0x2b: {  	p2 =	por $0x1, $0x1;
	[sflag:s6] =	ssyncset.done $0x0;
	s20 =	smul.u32 $0x10200, s19  }
0x2c: {  	s22 =	sshll.u32 s19, $0x10;
	[sflag:s6] =	ssyncadd.s32 $0xFFFFC000;
	s30 =	sshrl.u32 s21, $0x2  }
0x2d: {  	s31 =	sshrl.u32 s22, $0x2;
	s22 =	simm.s32 $0x0;
	s20 =	sshrl.u32 s20, $0x2  }
0x2e: {  	s19 =	sor.u32 $0x8000, s30;
	s21 =	sadd.s32 $0x20, s31;
	s20 =	sor.u32 $0x8000, s20  }
.LBB1_3:
0x2f: {  	s23 =	sshll.u32 s22, $0xD  }
0x30: {  	s23 =	sand.u32 $0x3FFFE000, s23  }
0x31: {  	s25 =	sadd.s32 s23, s21  }
0x32: {  	s31 =	smul.u32 $0x8100, s22;
	v3 =	vld [tilespmem:s25+$0x10]  }
0x33: {  	v1 =	vld [tilespmem:s25+$0xFFFFFFF0]  }
0x34: {  	s22 =	sshra.s32 s31, $0x2;
	v0 =	vld [tilespmem:s25+$0x0]  }
0x35: {  	s22 =	sadd.s32 s22, s20;
	v2 =	vld [tilespmem:s25+$0xFFFFFFE0]  }
0x36: {  	s23 =	sadd.s32 $0x0, s22  }
0x37: {  	p1 =	por p2, p2;
	s24 =	simm.s32 $0x4;
	s25 =	sadd.s32 $0x40, s25;
	[tilespmem:s23+$0x1830 ss:$0x81] =	vst.msk $0xffff, v3  }
.LBB1_4:
0x38: {  	v3 =	vld [tilespmem:s25+$0x10];
	p2 =	sne.s32 s24, $0x1FC;
	[tilespmem:s23+$0x810 ss:$0x81] =	vst.msk $0xffff, v1;
	s26 =	smov.u32 s24;
	s24 =	sadd.s32 $0x4, s24  }
.Ltmp3:
0x39: {  	v1 =	vld [tilespmem:s25+$0xFFFFFFF0];
	[tilespmem:s23+$0x1020 ss:$0x81] =	vst.msk $0xffff, v0;
	(pc) =	sbr.rel @p2 .LBB1_4-.Ltmp3, $4  }
0x3a: {  	v0 =	vld [tilespmem:s25+$0x0];
	[tilespmem:s23+$0x0 ss:$0x81] =	vst.msk $0xffff, v2  }
0x3b: {  	s23 =	sshra.s32 s26, $0x2;
	v2 =	vld [tilespmem:s25+$0xFFFFFFE0]  }
0x3c: {  	s23 =	sadd.s32 s23, s22  }
0x3d: {  	s25 =	sadd.s32 $0x40, s25;
	[tilespmem:s23+$0x1830 ss:$0x81] =	vst.msk $0xffff, v3  }
.Ltmp4:
0x3e: {  	(pc) =	sbr.rel @p1 .LBB1_3-.Ltmp4, $4  }
0x3f: {  	_ = 	snop  }
0x40: {  	[tilespmem:s23+$0x810 ss:$0x81] =	vst.msk $0xffff, v1  }
0x41: {  	[tilespmem:s23+$0x1020 ss:$0x81] =	vst.msk $0xffff, v0  }
0x42: {  	s22 =	simm.s32 $0x1;
	p2 =	por $0x0, $0x0;
	[tilespmem:s23+$0x0 ss:$0x81] =	vst.msk $0xffff, v2  }
0x43: {  	s20 =	sshll.u32 s16, $0x3;
	s21 =	sand.u32 $0x78, s16  }
0x44: {  	s18 =	sshll.u32 s18, $0x14;
	s17 =	sshll.u32 s17, $0x10;
	s29 =	sand.u32 $0xFC00, s16  }
.Ltmp5:
0x45: {  	s20 =	sand.u32 $0x1C00, s20;
	s18 =	sadd.s32 s1, s18;
	(pc) =	sbr.rel .LBB1_7-.Ltmp5, $4  }
0x46: {  	s30 =	sand.u32 $0x7, s16;
	s20 =	sor.u32 s21, s20;
	s17 =	sadd.s32 s17, s18  }
0x47: {  	s16 =	sshll.u32 s30, $0x12;
	s31 =	sshrl.u32 s20, $0x3;
	s17 =	sadd.s32 s29, s17  }
0x48: {  	s16 =	sor.u32 $0x400, s16;
	s17 =	sadd.s32 s31, s17  }
0x49: {  	[hbm4b:s17+s16] =	stream.strided.scatter [tilespmem:s19], [sflag:$0x2], $0x4000, s11, s16, $0x20;
	[tilespmem:$0x10100] =	vst v63  }
.LBB1_8:
0x4a: {  	_ =	sfence.sel $0x180000  }
0x4b: {  	s1 =	simm.s32 $0x1;
	[bflag:$0x0] =	sbarrier.arrive $0xFFFF  }
0x4c: {  	s31 =	simm.s32 $0x2;
	[sflag:s1] =	ssyncpa.u1 $0x1  }
0x4d: {  	[sflag:s31] =	ssyncpa.u1 $0x1  }
0x4e: {  	p0 =	sne.s32 s0, $0x0;
	_ =	strace $0x90000047  }
0x4f: {  	s0 =	sadd.s32 @!p0 $0x100000, s5;
	[bflag:$0x2] =	sbarrier.arrive $0xFFFF  }
0x50: {  	[sflag:s0] =	ssyncadd.tile.s32 @!p0 $0x1;
	_ =	shalt  }
.Lfunc_end1:
_tile_overlayer_lowered:
.L_overlay_start_2:
0x51: {  	(tag) =	ssettag $0x2  }
0x52: {  	s0 =	rddreg [dreg:$0x0];
	s2 =	stileid.u32  }
0x53: {  	s1 =	rddreg [dreg:$0x1];
	p0 =	sne.s32 s2, $0x0  }
0x54: {  	s3 =	rddreg [dreg:$0x2];
	[bflag:$0x3] =	sbarrier.arrive $0xFFFF;
	s2 =	simm.s32 @!p0 $0x1C01  }
0x55: {  	[timem:s3], [sflag:s2] =	dma.local @!p0 [hbm:s0], s1  }
0x56: {  	s0 =	simm.s32 @!p0 $0x1  }
0x57: {  	_ =	swait.ge @!p0 [sflag:s0], s1  }
0x58: {  	s1 =	ssub.s32 @!p0 $0x0, s1;
	[sflag:s0] =	ssyncset.done @!p0 $0x0  }
0x59: {  	[sflag:s0] =	ssyncadd.s32 @!p0 s1  }
0x5a: {  	[bflag:$0x3] =	sbarrier.arrive $0xFFFF  }
0x5b: {  	_ =	shalt  }

</sc_bundles>
